<compile_context>
chip_gen: v7x
topology: tpu7x:2x2x1
jax: 0.10.2.dev20260603
libtpu: 0.0.44.dev20260713+nightly
codegen_flags: <defaults>
</compile_context>

<pallas_src>
import functools

import jax
import jax.numpy as jnp
from jax import lax
from jax.experimental import pallas as pl
from jax.experimental.pallas import tpu as pltpu
from jax.experimental.pallas import tpu_sc as plsc

B = 4096
DENSE_DIM = 13
N_FIELDS = 26
VOCAB = 100000
EMBED_DIM = 32
BF = B * N_FIELDS
TAB_WORDS = N_FIELDS * VOCAB * EMBED_DIM

_LANES = 16
_CHUNK = 128
_Q_ITEMS = 832
_Q_WORDS = _Q_ITEMS * EMBED_DIM


def _sc_gather_make(num_workers: int, per_w: int):
  mesh = plsc.VectorSubcoreMesh(core_axis_name="c", subcore_axis_name="s")

  @functools.partial(
      pl.kernel,
      mesh=mesh,
      compiler_params=pltpu.CompilerParams(needs_layout_passes=False),
      out_type=jax.ShapeDtypeStruct((BF * EMBED_DIM,), jnp.float32),
      scratch_types=[
          pltpu.VMEM((per_w,), jnp.int32),
          pltpu.VMEM((_Q_WORDS,), jnp.int32),
          pltpu.VMEM((_Q_WORDS,), jnp.int32),
          pltpu.VMEM((_Q_WORDS,), jnp.float32),
          pltpu.VMEM((_Q_WORDS,), jnp.float32),
          pltpu.SemaphoreType.DMA,
          pltpu.SemaphoreType.DMA,
      ],
  )
  def gather_k(tab_hbm, sp_hbm, out_hbm, base_v, widx0, widx1, data0, data1,
               sem0, sem1):
    wid = lax.axis_index("s") * 2 + lax.axis_index("c")
    base = wid * per_w
    pltpu.sync_copy(sp_hbm.at[pl.ds(base, per_w)], base_v)
    iota = lax.iota(jnp.int32, _LANES)
    def base_body(k, carry):
      sl = pl.ds(k * _LANES, _LANES)
      pos = base + k * _LANES + iota
      base_v[sl] = base_v[sl] + lax.rem(pos, N_FIELDS) * (VOCAB * EMBED_DIM)
      return carry
    lax.fori_loop(0, per_w // _LANES, base_body, 0)

    c_lo = iota * VOCAB
    c_hi = (iota + _LANES) * VOCAB
    n_chunks = _Q_WORDS // _CHUNK
    nq = per_w // _Q_ITEMS
    widxs = [widx0, widx1]
    datas = [data0, data1]
    sems = [sem0, sem1]

    def expand(q, widx):
      qoff = q * _Q_ITEMS
      def body(m, carry):
        bvec = plsc.load_gather(
            base_v, [jnp.broadcast_to(qoff + m, (_LANES,)).astype(jnp.int32)])
        widx[pl.ds(m * EMBED_DIM, _LANES)] = bvec + c_lo
        widx[pl.ds(m * EMBED_DIM + _LANES, _LANES)] = bvec + c_hi
        return carry
      lax.fori_loop(0, _Q_ITEMS, body, 0)

    def fire(widx, data, sem):
      def body(j, carry):
        sl = pl.ds(j * _CHUNK, _CHUNK)
        pltpu.async_copy(tab_hbm.at[widx.at[sl]], data.at[sl], sem)
        return carry
      lax.fori_loop(0, n_chunks, body, 0)

    def drain_write(q, widx, data, sem):
      def body(j, carry):
        sl = pl.ds(j * _CHUNK, _CHUNK)
        pltpu.make_async_copy(tab_hbm.at[widx.at[sl]], data.at[sl], sem).wait()
        return carry
      lax.fori_loop(0, n_chunks, body, 0)
      pltpu.sync_copy(
          data, out_hbm.at[pl.ds((base + q * _Q_ITEMS) * EMBED_DIM, _Q_WORDS)])

    expand(0, widxs[0])
    fire(widxs[0], datas[0], sems[0])
    expand(1, widxs[1])
    for q in range(nq):
      if q + 1 < nq:
        fire(widxs[(q + 1) % 2], datas[(q + 1) % 2], sems[(q + 1) % 2])
      drain_write(q, widxs[q % 2], datas[q % 2], sems[q % 2])
      if q + 2 < nq:
        expand(q + 2, widxs[q % 2])

  return gather_k


def _mlp_body(dense_ref, embs_ref, w1d_ref, w1e_ref, b1_ref, w2_ref, b2_ref,
              w3_ref, b3_ref, out_ref):
  x1 = (dense_ref[...] @ w1d_ref[...] + embs_ref[...] @ w1e_ref[...]
        + b1_ref[...])
  h1 = jnp.maximum(x1, 0.0)
  h2 = jnp.maximum(h1 @ w2_ref[...] + b2_ref[...], 0.0)
  o = h2 @ w3_ref[...] + b3_ref[...]
  out_ref[...] = jax.nn.sigmoid(o)


def kernel(dense, sparse, tables, W1, b1, W2, b2, W3, b3):
  tab_flat = jnp.transpose(tables, (0, 2, 1)).reshape(TAB_WORDS)
  sp_flat = sparse.reshape(BF)

  info = plsc.get_sparse_core_info()
  nw = info.num_cores * info.num_subcores
  per_w = BF // nw
  embs = _sc_gather_make(nw, per_w)(tab_flat, sp_flat)
  embs = embs.reshape(B, N_FIELDS * EMBED_DIM)

  w1d = W1[:DENSE_DIM]
  w1e = W1[DENSE_DIM:]
  bs = 512
  grid = (B // bs,)
  full = lambda shape: pl.BlockSpec(shape, lambda i: (0, 0))
  out = pl.pallas_call(
      _mlp_body,
      grid=grid,
      in_specs=[
          pl.BlockSpec((bs, DENSE_DIM), lambda i: (i, 0)),
          pl.BlockSpec((bs, N_FIELDS * EMBED_DIM), lambda i: (i, 0)),
          full(w1d.shape),
          full(w1e.shape),
          pl.BlockSpec((1, 128), lambda i: (0, 0)),
          full(W2.shape),
          pl.BlockSpec((1, 64), lambda i: (0, 0)),
          full(W3.shape),
          pl.BlockSpec((1, 1), lambda i: (0, 0)),
      ],
      out_specs=pl.BlockSpec((bs, 1), lambda i: (i, 0)),
      out_shape=jax.ShapeDtypeStruct((B, 1), jnp.float32),
  )(dense, embs, w1d, w1e, b1.reshape(1, 128), W2, b2.reshape(1, 64), W3,
    b3.reshape(1, 1))
  return out.reshape(B)

# --- scband reference (transcript-rebuilt; emitter-appended) ---
"""Pipeline reference for scband-mlpmodel-86105504350300 (READ-ONLY COPY).

The authoritative reference and input builder live on the scoring server;
editing this copy changes nothing except your own understanding.
"""

import jax, jax.numpy as jnp
import numpy as np

B = 4096
DENSE_DIM = 13
N_FIELDS = 26
VOCAB = 100000
EMBED_DIM = 32
TOTAL_DIM = DENSE_DIM + N_FIELDS * EMBED_DIM


def setup_inputs(seed: int = 0) -> dict:
    key = jax.random.key(seed)
    ks = jax.random.split(key, 10)
    dense = jax.random.normal(ks[0], (B, DENSE_DIM), dtype=jnp.float32)
    sparse = jax.random.randint(ks[1], (B, N_FIELDS), 0, VOCAB, dtype=jnp.int32)
    tables = jax.random.normal(ks[2], (N_FIELDS, VOCAB, EMBED_DIM), dtype=jnp.float32) * 0.05
    W1 = jax.random.normal(ks[3], (TOTAL_DIM, 128), dtype=jnp.float32) * 0.02
    b1 = jnp.zeros((128,), dtype=jnp.float32)
    W2 = jax.random.normal(ks[4], (128, 64), dtype=jnp.float32) * 0.05
    b2 = jnp.zeros((64,), dtype=jnp.float32)
    W3 = jax.random.normal(ks[5], (64, 1), dtype=jnp.float32) * 0.05
    b3 = jnp.zeros((1,), dtype=jnp.float32)
    return {"dense": dense, "sparse": sparse, "tables": tables,
            "W1": W1, "b1": b1, "W2": W2, "b2": b2, "W3": W3, "b3": b3}


def reference(dense, sparse, tables, W1, b1, W2, b2, W3, b3):
    # per-field embedding lookup: tables[f, sparse[:, f]] for each field f
    field_idx = jnp.arange(N_FIELDS)[None, :]  # [1, F]
    embs = tables[field_idx, sparse]           # [B, F, D] gather
    embs_flat = embs.reshape(embs.shape[0], -1)
    x = jnp.concatenate([dense, embs_flat], axis=1)
    h = jax.nn.relu(x @ W1 + b1)
    h = jax.nn.relu(h @ W2 + b2)
    out = jax.nn.sigmoid(h @ W3 + b3)
    return out.squeeze(1)

if __name__ == "__main__":
    import jax
    _d = setup_inputs()
    print(jax.jit(kernel)(*tuple(_d.values())))

</pallas_src>

<mosaic_0001>
#map = affine_map<(d0, d1) -> (0)>
module attributes {stable_mosaic.version = 14 : i64} {
  func.func @gather_k(%arg0: i32, %arg1: i32, %arg2: memref<83200000xf32, #tpu.memory_space<hbm>>, %arg3: memref<106496xi32, #tpu.memory_space<hbm>>, %arg4: memref<3407872xf32, #tpu.memory_space<hbm>>, %arg5: memref<3328xi32, #tpu.memory_space<vmem>>, %arg6: memref<26624xi32, #tpu.memory_space<vmem>>, %arg7: memref<26624xi32, #tpu.memory_space<vmem>>, %arg8: memref<26624xf32, #tpu.memory_space<vmem>>, %arg9: memref<26624xf32, #tpu.memory_space<vmem>>, %arg10: memref<!tpu.dma_semaphore, #tpu.memory_space<semaphore_mem>>, %arg11: memref<!tpu.dma_semaphore, #tpu.memory_space<semaphore_mem>>) attributes {dimension_semantics = [#tpu.dimension_semantics<core_parallel>, #tpu.dimension_semantics<subcore_parallel>], iteration_bounds = array<i64: 2, 16>, scalar_prefetch = 0 : i64, scratch_operands = 7 : i64, tpu.core_type = #tpu.core_type<sc_vector_subcore>, window_params = [{transform_indices = #map}, {transform_indices = #map}, {transform_indices = #map}]} {
    %mul3A = arith.constant 2 : i32
    %mul3A_0 = arith.muli %arg1, %mul3A : i32
    %add3A = arith.addi %mul3A_0, %arg0 : i32
    %mul3A_1 = arith.constant 3328 : i32
    %mul3A_2 = arith.muli %add3A, %mul3A_1 : i32
    "tpu.region"() ({
      %run_scoped3A = tpu.sem_alloc : memref<!tpu.dma_semaphore, #tpu.memory_space<semaphore_mem>>
      %dma_start3A = tpu.memref_slice %arg3[%mul3A_2] : memref<106496xi32, #tpu.memory_space<hbm>> -> memref<3328xi32, #tpu.memory_space<hbm>>
      %dma_start3A_105 = tpu.memref_slice %arg3[%mul3A_2] : memref<106496xi32, #tpu.memory_space<hbm>> -> memref<3328xi32, #tpu.memory_space<hbm>>
      tpu.enqueue_dma source(%dma_start3A_105 : memref<3328xi32, #tpu.memory_space<hbm>>) target(%arg5 : memref<3328xi32, #tpu.memory_space<vmem>>) target_semaphore(%run_scoped3A : memref<!tpu.dma_semaphore, #tpu.memory_space<semaphore_mem>>)
      %dma_wait3A = tpu.memref_slice %arg3[%mul3A_2] : memref<106496xi32, #tpu.memory_space<hbm>> -> memref<3328xi32, #tpu.memory_space<hbm>>
      %dma_wait3A_106 = tpu.memref_slice %arg3[%mul3A_2] : memref<106496xi32, #tpu.memory_space<hbm>> -> memref<3328xi32, #tpu.memory_space<hbm>>
      tpu.wait_dma2 semaphore(%run_scoped3A : memref<!tpu.dma_semaphore, #tpu.memory_space<semaphore_mem>>) src(%dma_wait3A_106 : memref<3328xi32, #tpu.memory_space<hbm>>) dst(%arg5 : memref<3328xi32, #tpu.memory_space<vmem>>)
      tpu.yield
    }) : () -> ()
    %iota3A = tpu.iota {dimensions = array<i32: 0>} : vector<16xi32>
    %scan3A = arith.constant 0 : i32
    %scan3A_3 = arith.constant 0 : i32
    %scan3A_4 = arith.constant 208 : i32
    %scan3A_5 = arith.addi %scan3A_3, %scan3A_4 : i32
    %scan3A_6 = arith.constant 1 : i32
    scf.for %scan3A_105 = %scan3A_3 to %scan3A_5 step %scan3A_6  : i32 {
      %mul3A_106 = arith.constant 16 : i32
      %mul3A_107 = arith.muli %scan3A_105, %mul3A_106 : i32
      %mul3A_108 = arith.constant 16 : i32
      %mul3A_109 = arith.muli %scan3A_105, %mul3A_108 : i32
      %add3A_110 = arith.addi %mul3A_2, %mul3A_109 : i32
      %add3A_111 = vector.broadcast %add3A_110 : i32 to vector<16xi32>
      %add3A_112 = arith.addi %add3A_111, %iota3A : vector<16xi32>
      %get3A = arith.index_cast %mul3A_107 : i32 to index
      %get3A_113 = tpu.vector_load %arg5[%get3A] {strides = array<i32>} : memref<3328xi32, #tpu.memory_space<vmem>>, vector<16xi32>,
      %rem3A = arith.constant 26 : i32
      %rem3A_114 = vector.broadcast %rem3A : i32 to vector<16xi32>
      %rem3A_115 = arith.remsi %add3A_112, %rem3A_114 : vector<16xi32>
      %mul3A_116 = arith.constant 3200000 : i32
      %mul3A_117 = vector.broadcast %mul3A_116 : i32 to vector<16xi32>
      %mul3A_118 = arith.muli %rem3A_115, %mul3A_117 : vector<16xi32>
      %add3A_119 = arith.addi %get3A_113, %mul3A_118 : vector<16xi32>
      %swap3A = arith.index_cast %mul3A_107 : i32 to index
      %swap3A_120 = tpu.vector_load %arg5[%swap3A] {strides = array<i32>} : memref<3328xi32, #tpu.memory_space<vmem>>, vector<16xi32>,
      tpu.vector_store %arg5[%swap3A], %add3A_119 {strides = array<i32>} : memref<3328xi32, #tpu.memory_space<vmem>>, vector<16xi32>,
    }
    %scan3A_7 = arith.constant 208 : i32
    %mul3A_8 = arith.constant 100000 : i32
    %mul3A_9 = vector.broadcast %mul3A_8 : i32 to vector<16xi32>
    %mul3A_10 = arith.muli %iota3A, %mul3A_9 : vector<16xi32>
    %add3A_11 = arith.constant 16 : i32
    %add3A_12 = vector.broadcast %add3A_11 : i32 to vector<16xi32>
    %add3A_13 = arith.addi %iota3A, %add3A_12 : vector<16xi32>
    %mul3A_14 = arith.constant 100000 : i32
    %mul3A_15 = vector.broadcast %mul3A_14 : i32 to vector<16xi32>
    %mul3A_16 = arith.muli %add3A_13, %mul3A_15 : vector<16xi32>
    %scan3A_17 = arith.constant 0 : i32
    %scan3A_18 = arith.constant 0 : i32
    %scan3A_19 = arith.constant 832 : i32
    %scan3A_20 = arith.addi %scan3A_18, %scan3A_19 : i32
    %scan3A_21 = arith.constant 1 : i32
    scf.for %scan3A_105 = %scan3A_18 to %scan3A_20 step %scan3A_21  : i32 {
      %add3A_106 = arith.constant 0 : i32
      %add3A_107 = arith.addi %add3A_106, %scan3A_105 : i32
      %broadcast_in_dim3A = vector.broadcast %add3A_107 : i32 to vector<16xi32>
      %gather3A = tpu.vector_load_idx %arg5[%broadcast_in_dim3A] : memref<3328xi32, #tpu.memory_space<vmem>>[vector<16xi32>], vector<16xi32>,
      %add3A_108 = arith.addi %gather3A, %mul3A_10 : vector<16xi32>
      %mul3A_109 = arith.constant 32 : i32
      %mul3A_110 = arith.muli %scan3A_105, %mul3A_109 : i32
      %swap3A = arith.index_cast %mul3A_110 : i32 to index
      %swap3A_111 = tpu.vector_load %arg6[%swap3A] {strides = array<i32>} : memref<26624xi32, #tpu.memory_space<vmem>>, vector<16xi32>,
      tpu.vector_store %arg6[%swap3A], %add3A_108 {strides = array<i32>} : memref<26624xi32, #tpu.memory_space<vmem>>, vector<16xi32>,
      %add3A_112 = arith.addi %gather3A, %mul3A_16 : vector<16xi32>
      %mul3A_113 = arith.constant 32 : i32
      %mul3A_114 = arith.muli %scan3A_105, %mul3A_113 : i32
      %add3A_115 = arith.constant 16 : i32
      %add3A_116 = arith.addi %mul3A_114, %add3A_115 : i32
      %swap3A_117 = arith.index_cast %add3A_116 : i32 to index
      %swap3A_118 = tpu.vector_load %arg6[%swap3A_117] {strides = array<i32>} : memref<26624xi32, #tpu.memory_space<vmem>>, vector<16xi32>,
      tpu.vector_store %arg6[%swap3A_117], %add3A_112 {strides = array<i32>} : memref<26624xi32, #tpu.memory_space<vmem>>, vector<16xi32>,
    }
    %scan3A_22 = arith.constant 832 : i32
    %scan3A_23 = arith.constant 0 : i32
    %scan3A_24 = arith.constant 0 : i32
    %scan3A_25 = arith.constant 208 : i32
    %scan3A_26 = arith.addi %scan3A_24, %scan3A_25 : i32
    %scan3A_27 = arith.constant 1 : i32
    scf.for %scan3A_105 = %scan3A_24 to %scan3A_26 step %scan3A_27  : i32 {
      %mul3A_106 = arith.constant 128 : i32
      %mul3A_107 = arith.muli %scan3A_105, %mul3A_106 : i32
      %dma_start3A = tpu.memref_slice %arg8[%mul3A_107] : memref<26624xf32, #tpu.memory_space<vmem>> -> memref<128xf32, #tpu.memory_space<vmem>>
      %dma_start3A_108 = tpu.memref_slice %arg6[%mul3A_107] : memref<26624xi32, #tpu.memory_space<vmem>> -> memref<128xi32, #tpu.memory_space<vmem>>
      %dma_start3A_109 = arith.constant 0 : i32
      %dma_start3A_110 = tpu.memref_slice %arg2[%dma_start3A_109] : memref<83200000xf32, #tpu.memory_space<hbm>> -> memref<83200000xf32, #tpu.memory_space<hbm>>
      tpu.enqueue_indirect_dma source(%dma_start3A_110 : memref<83200000xf32, #tpu.memory_space<hbm>>) target(%dma_start3A : memref<128xf32, #tpu.memory_space<vmem>>) offsets(%dma_start3A_108 : memref<128xi32, #tpu.memory_space<vmem>>) semaphore(%arg10 : memref<!tpu.dma_semaphore, #tpu.memory_space<semaphore_mem>>)
    }
    %scan3A_28 = arith.constant 208 : i32
    %scan3A_29 = arith.constant 0 : i32
    %scan3A_30 = arith.constant 0 : i32
    %scan3A_31 = arith.constant 832 : i32
    %scan3A_32 = arith.addi %scan3A_30, %scan3A_31 : i32
    %scan3A_33 = arith.constant 1 : i32
    scf.for %scan3A_105 = %scan3A_30 to %scan3A_32 step %scan3A_33  : i32 {
      %add3A_106 = arith.constant 832 : i32
      %add3A_107 = arith.addi %add3A_106, %scan3A_105 : i32
      %broadcast_in_dim3A = vector.broadcast %add3A_107 : i32 to vector<16xi32>
      %gather3A = tpu.vector_load_idx %arg5[%broadcast_in_dim3A] : memref<3328xi32, #tpu.memory_space<vmem>>[vector<16xi32>], vector<16xi32>,
      %add3A_108 = arith.addi %gather3A, %mul3A_10 : vector<16xi32>
      %mul3A_109 = arith.constant 32 : i32
      %mul3A_110 = arith.muli %scan3A_105, %mul3A_109 : i32
      %swap3A = arith.index_cast %mul3A_110 : i32 to index
      %swap3A_111 = tpu.vector_load %arg7[%swap3A] {strides = array<i32>} : memref<26624xi32, #tpu.memory_space<vmem>>, vector<16xi32>,
      tpu.vector_store %arg7[%swap3A], %add3A_108 {strides = array<i32>} : memref<26624xi32, #tpu.memory_space<vmem>>, vector<16xi32>,
      %add3A_112 = arith.addi %gather3A, %mul3A_16 : vector<16xi32>
      %mul3A_113 = arith.constant 32 : i32
      %mul3A_114 = arith.muli %scan3A_105, %mul3A_113 : i32
      %add3A_115 = arith.constant 16 : i32
      %add3A_116 = arith.addi %mul3A_114, %add3A_115 : i32
      %swap3A_117 = arith.index_cast %add3A_116 : i32 to index
      %swap3A_118 = tpu.vector_load %arg7[%swap3A_117] {strides = array<i32>} : memref<26624xi32, #tpu.memory_space<vmem>>, vector<16xi32>,
      tpu.vector_store %arg7[%swap3A_117], %add3A_112 {strides = array<i32>} : memref<26624xi32, #tpu.memory_space<vmem>>, vector<16xi32>,
    }
    %scan3A_34 = arith.constant 832 : i32
    %scan3A_35 = arith.constant 0 : i32
    %scan3A_36 = arith.constant 0 : i32
    %scan3A_37 = arith.constant 208 : i32
    %scan3A_38 = arith.addi %scan3A_36, %scan3A_37 : i32
    %scan3A_39 = arith.constant 1 : i32
    scf.for %scan3A_105 = %scan3A_36 to %scan3A_38 step %scan3A_39  : i32 {
      %mul3A_106 = arith.constant 128 : i32
      %mul3A_107 = arith.muli %scan3A_105, %mul3A_106 : i32
      %dma_start3A = tpu.memref_slice %arg9[%mul3A_107] : memref<26624xf32, #tpu.memory_space<vmem>> -> memref<128xf32, #tpu.memory_space<vmem>>
      %dma_start3A_108 = tpu.memref_slice %arg7[%mul3A_107] : memref<26624xi32, #tpu.memory_space<vmem>> -> memref<128xi32, #tpu.memory_space<vmem>>
      %dma_start3A_109 = arith.constant 0 : i32
      %dma_start3A_110 = tpu.memref_slice %arg2[%dma_start3A_109] : memref<83200000xf32, #tpu.memory_space<hbm>> -> memref<83200000xf32, #tpu.memory_space<hbm>>
      tpu.enqueue_indirect_dma source(%dma_start3A_110 : memref<83200000xf32, #tpu.memory_space<hbm>>) target(%dma_start3A : memref<128xf32, #tpu.memory_space<vmem>>) offsets(%dma_start3A_108 : memref<128xi32, #tpu.memory_space<vmem>>) semaphore(%arg11 : memref<!tpu.dma_semaphore, #tpu.memory_space<semaphore_mem>>)
    }
    %scan3A_40 = arith.constant 208 : i32
    %scan3A_41 = arith.constant 0 : i32
    %scan3A_42 = arith.constant 0 : i32
    %scan3A_43 = arith.constant 208 : i32
    %scan3A_44 = arith.addi %scan3A_42, %scan3A_43 : i32
    %scan3A_45 = arith.constant 1 : i32
    scf.for %scan3A_105 = %scan3A_42 to %scan3A_44 step %scan3A_45  : i32 {
      %mul3A_106 = arith.constant 128 : i32
      %mul3A_107 = arith.muli %scan3A_105, %mul3A_106 : i32
      %dma_wait3A = tpu.memref_slice %arg8[%mul3A_107] : memref<26624xf32, #tpu.memory_space<vmem>> -> memref<128xf32, #tpu.memory_space<vmem>>
      %dma_wait3A_108 = tpu.memref_slice %arg6[%mul3A_107] : memref<26624xi32, #tpu.memory_space<vmem>> -> memref<128xi32, #tpu.memory_space<vmem>>
      %dma_wait3A_109 = arith.constant 0 : i32
      %dma_wait3A_110 = tpu.memref_slice %arg2[%dma_wait3A_109] : memref<83200000xf32, #tpu.memory_space<hbm>> -> memref<83200000xf32, #tpu.memory_space<hbm>>
      tpu.wait_indirect_dma semaphore(%arg10 : memref<!tpu.dma_semaphore, #tpu.memory_space<semaphore_mem>>) src(%dma_wait3A_110 : memref<83200000xf32, #tpu.memory_space<hbm>>) dst(%dma_wait3A : memref<128xf32, #tpu.memory_space<vmem>>)
    }
    %scan3A_46 = arith.constant 208 : i32
    %add3A_47 = arith.constant 0 : i32
    %add3A_48 = arith.addi %mul3A_2, %add3A_47 : i32
    %mul3A_49 = arith.constant 32 : i32
    %mul3A_50 = arith.muli %add3A_48, %mul3A_49 : i32
    "tpu.region"() ({
      %run_scoped3A = tpu.sem_alloc : memref<!tpu.dma_semaphore, #tpu.memory_space<semaphore_mem>>
      %dma_start3A = tpu.memref_slice %arg4[%mul3A_50] : memref<3407872xf32, #tpu.memory_space<hbm>> -> memref<26624xf32, #tpu.memory_space<hbm>>
      %dma_start3A_105 = tpu.memref_slice %arg4[%mul3A_50] : memref<3407872xf32, #tpu.memory_space<hbm>> -> memref<26624xf32, #tpu.memory_space<hbm>>
      tpu.enqueue_dma source(%arg8 : memref<26624xf32, #tpu.memory_space<vmem>>) target(%dma_start3A_105 : memref<26624xf32, #tpu.memory_space<hbm>>) target_semaphore(%run_scoped3A : memref<!tpu.dma_semaphore, #tpu.memory_space<semaphore_mem>>)
      %dma_wait3A = tpu.memref_slice %arg4[%mul3A_50] : memref<3407872xf32, #tpu.memory_space<hbm>> -> memref<26624xf32, #tpu.memory_space<hbm>>
      %dma_wait3A_106 = tpu.memref_slice %arg4[%mul3A_50] : memref<3407872xf32, #tpu.memory_space<hbm>> -> memref<26624xf32, #tpu.memory_space<hbm>>
      tpu.wait_dma2 semaphore(%run_scoped3A : memref<!tpu.dma_semaphore, #tpu.memory_space<semaphore_mem>>) src(%arg8 : memref<26624xf32, #tpu.memory_space<vmem>>) dst(%dma_wait3A_106 : memref<26624xf32, #tpu.memory_space<hbm>>)
      tpu.yield
    }) : () -> ()
    %scan3A_51 = arith.constant 0 : i32
    %scan3A_52 = arith.constant 0 : i32
    %scan3A_53 = arith.constant 832 : i32
    %scan3A_54 = arith.addi %scan3A_52, %scan3A_53 : i32
    %scan3A_55 = arith.constant 1 : i32
    scf.for %scan3A_105 = %scan3A_52 to %scan3A_54 step %scan3A_55  : i32 {
      %add3A_106 = arith.constant 1664 : i32
      %add3A_107 = arith.addi %add3A_106, %scan3A_105 : i32
      %broadcast_in_dim3A = vector.broadcast %add3A_107 : i32 to vector<16xi32>
      %gather3A = tpu.vector_load_idx %arg5[%broadcast_in_dim3A] : memref<3328xi32, #tpu.memory_space<vmem>>[vector<16xi32>], vector<16xi32>,
      %add3A_108 = arith.addi %gather3A, %mul3A_10 : vector<16xi32>
      %mul3A_109 = arith.constant 32 : i32
      %mul3A_110 = arith.muli %scan3A_105, %mul3A_109 : i32
      %swap3A = arith.index_cast %mul3A_110 : i32 to index
      %swap3A_111 = tpu.vector_load %arg6[%swap3A] {strides = array<i32>} : memref<26624xi32, #tpu.memory_space<vmem>>, vector<16xi32>,
      tpu.vector_store %arg6[%swap3A], %add3A_108 {strides = array<i32>} : memref<26624xi32, #tpu.memory_space<vmem>>, vector<16xi32>,
      %add3A_112 = arith.addi %gather3A, %mul3A_16 : vector<16xi32>
      %mul3A_113 = arith.constant 32 : i32
      %mul3A_114 = arith.muli %scan3A_105, %mul3A_113 : i32
      %add3A_115 = arith.constant 16 : i32
      %add3A_116 = arith.addi %mul3A_114, %add3A_115 : i32
      %swap3A_117 = arith.index_cast %add3A_116 : i32 to index
      %swap3A_118 = tpu.vector_load %arg6[%swap3A_117] {strides = array<i32>} : memref<26624xi32, #tpu.memory_space<vmem>>, vector<16xi32>,
      tpu.vector_store %arg6[%swap3A_117], %add3A_112 {strides = array<i32>} : memref<26624xi32, #tpu.memory_space<vmem>>, vector<16xi32>,
    }
    %scan3A_56 = arith.constant 832 : i32
    %scan3A_57 = arith.constant 0 : i32
    %scan3A_58 = arith.constant 0 : i32
    %scan3A_59 = arith.constant 208 : i32
    %scan3A_60 = arith.addi %scan3A_58, %scan3A_59 : i32
    %scan3A_61 = arith.constant 1 : i32
    scf.for %scan3A_105 = %scan3A_58 to %scan3A_60 step %scan3A_61  : i32 {
      %mul3A_106 = arith.constant 128 : i32
      %mul3A_107 = arith.muli %scan3A_105, %mul3A_106 : i32
      %dma_start3A = tpu.memref_slice %arg8[%mul3A_107] : memref<26624xf32, #tpu.memory_space<vmem>> -> memref<128xf32, #tpu.memory_space<vmem>>
      %dma_start3A_108 = tpu.memref_slice %arg6[%mul3A_107] : memref<26624xi32, #tpu.memory_space<vmem>> -> memref<128xi32, #tpu.memory_space<vmem>>
      %dma_start3A_109 = arith.constant 0 : i32
      %dma_start3A_110 = tpu.memref_slice %arg2[%dma_start3A_109] : memref<83200000xf32, #tpu.memory_space<hbm>> -> memref<83200000xf32, #tpu.memory_space<hbm>>
      tpu.enqueue_indirect_dma source(%dma_start3A_110 : memref<83200000xf32, #tpu.memory_space<hbm>>) target(%dma_start3A : memref<128xf32, #tpu.memory_space<vmem>>) offsets(%dma_start3A_108 : memref<128xi32, #tpu.memory_space<vmem>>) semaphore(%arg10 : memref<!tpu.dma_semaphore, #tpu.memory_space<semaphore_mem>>)
    }
    %scan3A_62 = arith.constant 208 : i32
    %scan3A_63 = arith.constant 0 : i32
    %scan3A_64 = arith.constant 0 : i32
    %scan3A_65 = arith.constant 208 : i32
    %scan3A_66 = arith.addi %scan3A_64, %scan3A_65 : i32
    %scan3A_67 = arith.constant 1 : i32
    scf.for %scan3A_105 = %scan3A_64 to %scan3A_66 step %scan3A_67  : i32 {
      %mul3A_106 = arith.constant 128 : i32
      %mul3A_107 = arith.muli %scan3A_105, %mul3A_106 : i32
      %dma_wait3A = tpu.memref_slice %arg9[%mul3A_107] : memref<26624xf32, #tpu.memory_space<vmem>> -> memref<128xf32, #tpu.memory_space<vmem>>
      %dma_wait3A_108 = tpu.memref_slice %arg7[%mul3A_107] : memref<26624xi32, #tpu.memory_space<vmem>> -> memref<128xi32, #tpu.memory_space<vmem>>
      %dma_wait3A_109 = arith.constant 0 : i32
      %dma_wait3A_110 = tpu.memref_slice %arg2[%dma_wait3A_109] : memref<83200000xf32, #tpu.memory_space<hbm>> -> memref<83200000xf32, #tpu.memory_space<hbm>>
      tpu.wait_indirect_dma semaphore(%arg11 : memref<!tpu.dma_semaphore, #tpu.memory_space<semaphore_mem>>) src(%dma_wait3A_110 : memref<83200000xf32, #tpu.memory_space<hbm>>) dst(%dma_wait3A : memref<128xf32, #tpu.memory_space<vmem>>)
    }
    %scan3A_68 = arith.constant 208 : i32
    %add3A_69 = arith.constant 832 : i32
    %add3A_70 = arith.addi %mul3A_2, %add3A_69 : i32
    %mul3A_71 = arith.constant 32 : i32
    %mul3A_72 = arith.muli %add3A_70, %mul3A_71 : i32
    "tpu.region"() ({
      %run_scoped3A = tpu.sem_alloc : memref<!tpu.dma_semaphore, #tpu.memory_space<semaphore_mem>>
      %dma_start3A = tpu.memref_slice %arg4[%mul3A_72] : memref<3407872xf32, #tpu.memory_space<hbm>> -> memref<26624xf32, #tpu.memory_space<hbm>>
      %dma_start3A_105 = tpu.memref_slice %arg4[%mul3A_72] : memref<3407872xf32, #tpu.memory_space<hbm>> -> memref<26624xf32, #tpu.memory_space<hbm>>
      tpu.enqueue_dma source(%arg9 : memref<26624xf32, #tpu.memory_space<vmem>>) target(%dma_start3A_105 : memref<26624xf32, #tpu.memory_space<hbm>>) target_semaphore(%run_scoped3A : memref<!tpu.dma_semaphore, #tpu.memory_space<semaphore_mem>>)
      %dma_wait3A = tpu.memref_slice %arg4[%mul3A_72] : memref<3407872xf32, #tpu.memory_space<hbm>> -> memref<26624xf32, #tpu.memory_space<hbm>>
      %dma_wait3A_106 = tpu.memref_slice %arg4[%mul3A_72] : memref<3407872xf32, #tpu.memory_space<hbm>> -> memref<26624xf32, #tpu.memory_space<hbm>>
      tpu.wait_dma2 semaphore(%run_scoped3A : memref<!tpu.dma_semaphore, #tpu.memory_space<semaphore_mem>>) src(%arg9 : memref<26624xf32, #tpu.memory_space<vmem>>) dst(%dma_wait3A_106 : memref<26624xf32, #tpu.memory_space<hbm>>)
      tpu.yield
    }) : () -> ()
    %scan3A_73 = arith.constant 0 : i32
    %scan3A_74 = arith.constant 0 : i32
    %scan3A_75 = arith.constant 832 : i32
    %scan3A_76 = arith.addi %scan3A_74, %scan3A_75 : i32
    %scan3A_77 = arith.constant 1 : i32
    scf.for %scan3A_105 = %scan3A_74 to %scan3A_76 step %scan3A_77  : i32 {
      %add3A_106 = arith.constant 2496 : i32
      %add3A_107 = arith.addi %add3A_106, %scan3A_105 : i32
      %broadcast_in_dim3A = vector.broadcast %add3A_107 : i32 to vector<16xi32>
      %gather3A = tpu.vector_load_idx %arg5[%broadcast_in_dim3A] : memref<3328xi32, #tpu.memory_space<vmem>>[vector<16xi32>], vector<16xi32>,
      %add3A_108 = arith.addi %gather3A, %mul3A_10 : vector<16xi32>
      %mul3A_109 = arith.constant 32 : i32
      %mul3A_110 = arith.muli %scan3A_105, %mul3A_109 : i32
      %swap3A = arith.index_cast %mul3A_110 : i32 to index
      %swap3A_111 = tpu.vector_load %arg7[%swap3A] {strides = array<i32>} : memref<26624xi32, #tpu.memory_space<vmem>>, vector<16xi32>,
      tpu.vector_store %arg7[%swap3A], %add3A_108 {strides = array<i32>} : memref<26624xi32, #tpu.memory_space<vmem>>, vector<16xi32>,
      %add3A_112 = arith.addi %gather3A, %mul3A_16 : vector<16xi32>
      %mul3A_113 = arith.constant 32 : i32
      %mul3A_114 = arith.muli %scan3A_105, %mul3A_113 : i32
      %add3A_115 = arith.constant 16 : i32
      %add3A_116 = arith.addi %mul3A_114, %add3A_115 : i32
      %swap3A_117 = arith.index_cast %add3A_116 : i32 to index
      %swap3A_118 = tpu.vector_load %arg7[%swap3A_117] {strides = array<i32>} : memref<26624xi32, #tpu.memory_space<vmem>>, vector<16xi32>,
      tpu.vector_store %arg7[%swap3A_117], %add3A_112 {strides = array<i32>} : memref<26624xi32, #tpu.memory_space<vmem>>, vector<16xi32>,
    }
    %scan3A_78 = arith.constant 832 : i32
    %scan3A_79 = arith.constant 0 : i32
    %scan3A_80 = arith.constant 0 : i32
    %scan3A_81 = arith.constant 208 : i32
    %scan3A_82 = arith.addi %scan3A_80, %scan3A_81 : i32
    %scan3A_83 = arith.constant 1 : i32
    scf.for %scan3A_105 = %scan3A_80 to %scan3A_82 step %scan3A_83  : i32 {
      %mul3A_106 = arith.constant 128 : i32
      %mul3A_107 = arith.muli %scan3A_105, %mul3A_106 : i32
      %dma_start3A = tpu.memref_slice %arg9[%mul3A_107] : memref<26624xf32, #tpu.memory_space<vmem>> -> memref<128xf32, #tpu.memory_space<vmem>>
      %dma_start3A_108 = tpu.memref_slice %arg7[%mul3A_107] : memref<26624xi32, #tpu.memory_space<vmem>> -> memref<128xi32, #tpu.memory_space<vmem>>
      %dma_start3A_109 = arith.constant 0 : i32
      %dma_start3A_110 = tpu.memref_slice %arg2[%dma_start3A_109] : memref<83200000xf32, #tpu.memory_space<hbm>> -> memref<83200000xf32, #tpu.memory_space<hbm>>
      tpu.enqueue_indirect_dma source(%dma_start3A_110 : memref<83200000xf32, #tpu.memory_space<hbm>>) target(%dma_start3A : memref<128xf32, #tpu.memory_space<vmem>>) offsets(%dma_start3A_108 : memref<128xi32, #tpu.memory_space<vmem>>) semaphore(%arg11 : memref<!tpu.dma_semaphore, #tpu.memory_space<semaphore_mem>>)
    }
    %scan3A_84 = arith.constant 208 : i32
    %scan3A_85 = arith.constant 0 : i32
    %scan3A_86 = arith.constant 0 : i32
    %scan3A_87 = arith.constant 208 : i32
    %scan3A_88 = arith.addi %scan3A_86, %scan3A_87 : i32
    %scan3A_89 = arith.constant 1 : i32
    scf.for %scan3A_105 = %scan3A_86 to %scan3A_88 step %scan3A_89  : i32 {
      %mul3A_106 = arith.constant 128 : i32
      %mul3A_107 = arith.muli %scan3A_105, %mul3A_106 : i32
      %dma_wait3A = tpu.memref_slice %arg8[%mul3A_107] : memref<26624xf32, #tpu.memory_space<vmem>> -> memref<128xf32, #tpu.memory_space<vmem>>
      %dma_wait3A_108 = tpu.memref_slice %arg6[%mul3A_107] : memref<26624xi32, #tpu.memory_space<vmem>> -> memref<128xi32, #tpu.memory_space<vmem>>
      %dma_wait3A_109 = arith.constant 0 : i32
      %dma_wait3A_110 = tpu.memref_slice %arg2[%dma_wait3A_109] : memref<83200000xf32, #tpu.memory_space<hbm>> -> memref<83200000xf32, #tpu.memory_space<hbm>>
      tpu.wait_indirect_dma semaphore(%arg10 : memref<!tpu.dma_semaphore, #tpu.memory_space<semaphore_mem>>) src(%dma_wait3A_110 : memref<83200000xf32, #tpu.memory_space<hbm>>) dst(%dma_wait3A : memref<128xf32, #tpu.memory_space<vmem>>)
    }
    %scan3A_90 = arith.constant 208 : i32
    %add3A_91 = arith.constant 1664 : i32
    %add3A_92 = arith.addi %mul3A_2, %add3A_91 : i32
    %mul3A_93 = arith.constant 32 : i32
    %mul3A_94 = arith.muli %add3A_92, %mul3A_93 : i32
    "tpu.region"() ({
      %run_scoped3A = tpu.sem_alloc : memref<!tpu.dma_semaphore, #tpu.memory_space<semaphore_mem>>
      %dma_start3A = tpu.memref_slice %arg4[%mul3A_94] : memref<3407872xf32, #tpu.memory_space<hbm>> -> memref<26624xf32, #tpu.memory_space<hbm>>
      %dma_start3A_105 = tpu.memref_slice %arg4[%mul3A_94] : memref<3407872xf32, #tpu.memory_space<hbm>> -> memref<26624xf32, #tpu.memory_space<hbm>>
      tpu.enqueue_dma source(%arg8 : memref<26624xf32, #tpu.memory_space<vmem>>) target(%dma_start3A_105 : memref<26624xf32, #tpu.memory_space<hbm>>) target_semaphore(%run_scoped3A : memref<!tpu.dma_semaphore, #tpu.memory_space<semaphore_mem>>)
      %dma_wait3A = tpu.memref_slice %arg4[%mul3A_94] : memref<3407872xf32, #tpu.memory_space<hbm>> -> memref<26624xf32, #tpu.memory_space<hbm>>
      %dma_wait3A_106 = tpu.memref_slice %arg4[%mul3A_94] : memref<3407872xf32, #tpu.memory_space<hbm>> -> memref<26624xf32, #tpu.memory_space<hbm>>
      tpu.wait_dma2 semaphore(%run_scoped3A : memref<!tpu.dma_semaphore, #tpu.memory_space<semaphore_mem>>) src(%arg8 : memref<26624xf32, #tpu.memory_space<vmem>>) dst(%dma_wait3A_106 : memref<26624xf32, #tpu.memory_space<hbm>>)
      tpu.yield
    }) : () -> ()
    %scan3A_95 = arith.constant 0 : i32
    %scan3A_96 = arith.constant 0 : i32
    %scan3A_97 = arith.constant 208 : i32
    %scan3A_98 = arith.addi %scan3A_96, %scan3A_97 : i32
    %scan3A_99 = arith.constant 1 : i32
    scf.for %scan3A_105 = %scan3A_96 to %scan3A_98 step %scan3A_99  : i32 {
      %mul3A_106 = arith.constant 128 : i32
      %mul3A_107 = arith.muli %scan3A_105, %mul3A_106 : i32
      %dma_wait3A = tpu.memref_slice %arg9[%mul3A_107] : memref<26624xf32, #tpu.memory_space<vmem>> -> memref<128xf32, #tpu.memory_space<vmem>>
      %dma_wait3A_108 = tpu.memref_slice %arg7[%mul3A_107] : memref<26624xi32, #tpu.memory_space<vmem>> -> memref<128xi32, #tpu.memory_space<vmem>>
      %dma_wait3A_109 = arith.constant 0 : i32
      %dma_wait3A_110 = tpu.memref_slice %arg2[%dma_wait3A_109] : memref<83200000xf32, #tpu.memory_space<hbm>> -> memref<83200000xf32, #tpu.memory_space<hbm>>
      tpu.wait_indirect_dma semaphore(%arg11 : memref<!tpu.dma_semaphore, #tpu.memory_space<semaphore_mem>>) src(%dma_wait3A_110 : memref<83200000xf32, #tpu.memory_space<hbm>>) dst(%dma_wait3A : memref<128xf32, #tpu.memory_space<vmem>>)
    }
    %scan3A_100 = arith.constant 208 : i32
    %add3A_101 = arith.constant 2496 : i32
    %add3A_102 = arith.addi %mul3A_2, %add3A_101 : i32
    %mul3A_103 = arith.constant 32 : i32
    %mul3A_104 = arith.muli %add3A_102, %mul3A_103 : i32
    "tpu.region"() ({
      %run_scoped3A = tpu.sem_alloc : memref<!tpu.dma_semaphore, #tpu.memory_space<semaphore_mem>>
      %dma_start3A = tpu.memref_slice %arg4[%mul3A_104] : memref<3407872xf32, #tpu.memory_space<hbm>> -> memref<26624xf32, #tpu.memory_space<hbm>>
      %dma_start3A_105 = tpu.memref_slice %arg4[%mul3A_104] : memref<3407872xf32, #tpu.memory_space<hbm>> -> memref<26624xf32, #tpu.memory_space<hbm>>
      tpu.enqueue_dma source(%arg9 : memref<26624xf32, #tpu.memory_space<vmem>>) target(%dma_start3A_105 : memref<26624xf32, #tpu.memory_space<hbm>>) target_semaphore(%run_scoped3A : memref<!tpu.dma_semaphore, #tpu.memory_space<semaphore_mem>>)
      %dma_wait3A = tpu.memref_slice %arg4[%mul3A_104] : memref<3407872xf32, #tpu.memory_space<hbm>> -> memref<26624xf32, #tpu.memory_space<hbm>>
      %dma_wait3A_106 = tpu.memref_slice %arg4[%mul3A_104] : memref<3407872xf32, #tpu.memory_space<hbm>> -> memref<26624xf32, #tpu.memory_space<hbm>>
      tpu.wait_dma2 semaphore(%run_scoped3A : memref<!tpu.dma_semaphore, #tpu.memory_space<semaphore_mem>>) src(%arg9 : memref<26624xf32, #tpu.memory_space<vmem>>) dst(%dma_wait3A_106 : memref<26624xf32, #tpu.memory_space<hbm>>)
      tpu.yield
    }) : () -> ()
    return
  }
}

module attributes {stable_mosaic.version = 14 : i64} {
  func.func @_mlp_body(%arg0: i32, %arg1: memref<512x13xf32, #tpu.memory_space<vmem>>, %arg2: memref<512x832xf32, #tpu.memory_space<vmem>>, %arg3: memref<13x128xf32, #tpu.memory_space<vmem>>, %arg4: memref<832x128xf32, #tpu.memory_space<vmem>>, %arg5: memref<1x128xf32, #tpu.memory_space<vmem>>, %arg6: memref<128x64xf32, #tpu.memory_space<vmem>>, %arg7: memref<1x64xf32, #tpu.memory_space<vmem>>, %arg8: memref<64x1xf32, #tpu.memory_space<vmem>>, %arg9: memref<1x1xf32, #tpu.memory_space<vmem>>, %arg10: memref<512x1xf32, #tpu.memory_space<vmem>>) attributes {dimension_semantics = [#tpu.dimension_semantics<arbitrary>], iteration_bounds = array<i64: 8>, scalar_prefetch = 0 : i64, scratch_operands = 0 : i64, tpu.core_type = #tpu.core_type<tc>, window_params = [{transform_indices = @transform_0, window_bounds = array<i64: 512, 13>}, {transform_indices = @transform_1, window_bounds = array<i64: 512, 832>}, {pipeline_mode = #tpu.pipeline_mode<synchronous>, transform_indices = @transform_2, window_bounds = array<i64: 13, 128>}, {pipeline_mode = #tpu.pipeline_mode<synchronous>, transform_indices = @transform_3, window_bounds = array<i64: 832, 128>}, {pipeline_mode = #tpu.pipeline_mode<synchronous>, transform_indices = @transform_4, window_bounds = array<i64: 1, 128>}, {pipeline_mode = #tpu.pipeline_mode<synchronous>, transform_indices = @transform_5, window_bounds = array<i64: 128, 64>}, {pipeline_mode = #tpu.pipeline_mode<synchronous>, transform_indices = @transform_6, window_bounds = array<i64: 1, 64>}, {pipeline_mode = #tpu.pipeline_mode<synchronous>, transform_indices = @transform_7, window_bounds = array<i64: 64, 1>}, {pipeline_mode = #tpu.pipeline_mode<synchronous>, transform_indices = @transform_8, window_bounds = array<i64: 1, 1>}, {transform_indices = @transform_9, window_bounds = array<i64: 512, 1>}]} {
    %get3A = arith.constant 0 : index
    %get3A_0 = arith.constant 0 : index
    %get3A_1 = vector.load %arg1[%get3A, %get3A_0] : memref<512x13xf32, #tpu.memory_space<vmem>>, vector<512x13xf32>
    %get3A_2 = arith.constant 0 : index
    %get3A_3 = arith.constant 0 : index
    %get3A_4 = vector.load %arg3[%get3A_2, %get3A_3] : memref<13x128xf32, #tpu.memory_space<vmem>>, vector<13x128xf32>
    %dot_general3A = arith.constant dense<0.000000e+00> : vector<512x128xf32>
    %dot_general3A_5 = tpu.matmul %get3A_1, %get3A_4, %dot_general3A {dimension_numbers = #tpu.dot_dimension_numbers<[1], [0], [0], [1], [0, 0, 1, 1], [], []>, transpose_lhs_hint = false} : vector<512x13xf32>, vector<13x128xf32>, vector<512x128xf32> -> vector<512x128xf32>
    %get3A_6 = arith.constant 0 : index
    %get3A_7 = arith.constant 0 : index
    %get3A_8 = vector.load %arg2[%get3A_6, %get3A_7] : memref<512x832xf32, #tpu.memory_space<vmem>>, vector<512x832xf32>
    %get3A_9 = arith.constant 0 : index
    %get3A_10 = arith.constant 0 : index
    %get3A_11 = vector.load %arg4[%get3A_9, %get3A_10] : memref<832x128xf32, #tpu.memory_space<vmem>>, vector<832x128xf32>
    %dot_general3A_12 = arith.constant dense<0.000000e+00> : vector<512x128xf32>
    %dot_general3A_13 = tpu.matmul %get3A_8, %get3A_11, %dot_general3A_12 {dimension_numbers = #tpu.dot_dimension_numbers<[1], [0], [0], [1], [0, 0, 1, 1], [], []>, transpose_lhs_hint = false} : vector<512x832xf32>, vector<832x128xf32>, vector<512x128xf32> -> vector<512x128xf32>
    %add3A = arith.addf %dot_general3A_5, %dot_general3A_13 : vector<512x128xf32>
    %get3A_14 = arith.constant 0 : index
    %get3A_15 = arith.constant 0 : index
    %get3A_16 = vector.load %arg5[%get3A_14, %get3A_15] : memref<1x128xf32, #tpu.memory_space<vmem>>, vector<1x128xf32>
    %add3A_17 = vector.broadcast %get3A_16 : vector<1x128xf32> to vector<512x128xf32>
    %add3A_18 = arith.addf %add3A, %add3A_17 : vector<512x128xf32>
    %max3A = arith.constant 0.000000e+00 : f32
    %max3A_19 = vector.broadcast %max3A : f32 to vector<512x128xf32>
    %max3A_20 = arith.maximumf %add3A_18, %max3A_19 : vector<512x128xf32>
    %get3A_21 = arith.constant 0 : index
    %get3A_22 = arith.constant 0 : index
    %get3A_23 = vector.load %arg6[%get3A_21, %get3A_22] : memref<128x64xf32, #tpu.memory_space<vmem>>, vector<128x64xf32>
    %dot_general3A_24 = arith.constant dense<0.000000e+00> : vector<512x64xf32>
    %dot_general3A_25 = tpu.matmul %max3A_20, %get3A_23, %dot_general3A_24 {dimension_numbers = #tpu.dot_dimension_numbers<[1], [0], [0], [1], [0, 0, 1, 1], [], []>, transpose_lhs_hint = false} : vector<512x128xf32>, vector<128x64xf32>, vector<512x64xf32> -> vector<512x64xf32>
    %get3A_26 = arith.constant 0 : index
    %get3A_27 = arith.constant 0 : index
    %get3A_28 = vector.load %arg7[%get3A_26, %get3A_27] : memref<1x64xf32, #tpu.memory_space<vmem>>, vector<1x64xf32>
    %add3A_29 = vector.broadcast %get3A_28 : vector<1x64xf32> to vector<512x64xf32>
    %add3A_30 = arith.addf %dot_general3A_25, %add3A_29 : vector<512x64xf32>
    %max3A_31 = arith.constant 0.000000e+00 : f32
    %max3A_32 = vector.broadcast %max3A_31 : f32 to vector<512x64xf32>
    %max3A_33 = arith.maximumf %add3A_30, %max3A_32 : vector<512x64xf32>
    %get3A_34 = arith.constant 0 : index
    %get3A_35 = arith.constant 0 : index
    %get3A_36 = vector.load %arg8[%get3A_34, %get3A_35] : memref<64x1xf32, #tpu.memory_space<vmem>>, vector<64x1xf32>
    %dot_general3A_37 = arith.constant dense<0.000000e+00> : vector<512x1xf32>
    %dot_general3A_38 = tpu.matmul %max3A_33, %get3A_36, %dot_general3A_37 {dimension_numbers = #tpu.dot_dimension_numbers<[1], [0], [0], [1], [0, 0, 1, 1], [], []>, transpose_lhs_hint = false} : vector<512x64xf32>, vector<64x1xf32>, vector<512x1xf32> -> vector<512x1xf32>
    %get3A_39 = arith.constant 0 : index
    %get3A_40 = arith.constant 0 : index
    %get3A_41 = vector.load %arg9[%get3A_39, %get3A_40] : memref<1x1xf32, #tpu.memory_space<vmem>>, vector<1x1xf32>
    %add3A_42 = vector.broadcast %get3A_41 : vector<1x1xf32> to vector<512x1xf32>
    %add3A_43 = arith.addf %dot_general3A_38, %add3A_42 : vector<512x1xf32>
    %logistic3A = arith.negf %add3A_43 : vector<512x1xf32>
    %logistic3A_44 = math.exp %logistic3A : vector<512x1xf32>
    %logistic3A_45 = arith.constant 1.000000e+00 : f32
    %logistic3A_46 = vector.broadcast %logistic3A_45 : f32 to vector<512x1xf32>
    %logistic3A_47 = arith.addf %logistic3A_46, %logistic3A_44 : vector<512x1xf32>
    %logistic3A_48 = arith.divf %logistic3A_46, %logistic3A_47 : vector<512x1xf32>
    %swap3A = arith.constant 0 : index
    %swap3A_49 = arith.constant 0 : index
    %swap3A_50 = vector.load %arg10[%swap3A, %swap3A_49] : memref<512x1xf32, #tpu.memory_space<vmem>>, vector<512x1xf32>
    tpu.vector_store %arg10[%swap3A, %swap3A_49], %logistic3A_48 {strides = array<i32>} : memref<512x1xf32, #tpu.memory_space<vmem>>, vector<512x1xf32>,
    return
  }
  func.func @transform_0(%arg0: i32) -> (i32, i32) {
    %c0_i32 = arith.constant 0 : i32
    %c0_i32_0 = arith.constant 0 : i32
    return %arg0, %c0_i32 : i32, i32
  }
  func.func @transform_1(%arg0: i32) -> (i32, i32) {
    %c0_i32 = arith.constant 0 : i32
    %c0_i32_0 = arith.constant 0 : i32
    return %arg0, %c0_i32 : i32, i32
  }
  func.func @transform_2(%arg0: i32) -> (i32, i32) {
    %c0_i32 = arith.constant 0 : i32
    %c0_i32_0 = arith.constant 0 : i32
    %c0_i32_1 = arith.constant 0 : i32
    return %c0_i32, %c0_i32_0 : i32, i32
  }
  func.func @transform_3(%arg0: i32) -> (i32, i32) {
    %c0_i32 = arith.constant 0 : i32
    %c0_i32_0 = arith.constant 0 : i32
    %c0_i32_1 = arith.constant 0 : i32
    return %c0_i32, %c0_i32_0 : i32, i32
  }
  func.func @transform_4(%arg0: i32) -> (i32, i32) {
    %c0_i32 = arith.constant 0 : i32
    %c0_i32_0 = arith.constant 0 : i32
    %c0_i32_1 = arith.constant 0 : i32
    return %c0_i32, %c0_i32_0 : i32, i32
  }
  func.func @transform_5(%arg0: i32) -> (i32, i32) {
    %c0_i32 = arith.constant 0 : i32
    %c0_i32_0 = arith.constant 0 : i32
    %c0_i32_1 = arith.constant 0 : i32
    return %c0_i32, %c0_i32_0 : i32, i32
  }
  func.func @transform_6(%arg0: i32) -> (i32, i32) {
    %c0_i32 = arith.constant 0 : i32
    %c0_i32_0 = arith.constant 0 : i32
    %c0_i32_1 = arith.constant 0 : i32
    return %c0_i32, %c0_i32_0 : i32, i32
  }
  func.func @transform_7(%arg0: i32) -> (i32, i32) {
    %c0_i32 = arith.constant 0 : i32
    %c0_i32_0 = arith.constant 0 : i32
    %c0_i32_1 = arith.constant 0 : i32
    return %c0_i32, %c0_i32_0 : i32, i32
  }
  func.func @transform_8(%arg0: i32) -> (i32, i32) {
    %c0_i32 = arith.constant 0 : i32
    %c0_i32_0 = arith.constant 0 : i32
    %c0_i32_1 = arith.constant 0 : i32
    return %c0_i32, %c0_i32_0 : i32, i32
  }
  func.func @transform_9(%arg0: i32) -> (i32, i32) {
    %c0_i32 = arith.constant 0 : i32
    %c0_i32_0 = arith.constant 0 : i32
    return %arg0, %c0_i32 : i32, i32
  }
}

</mosaic_0001>

<sc_bundles>
// kernel: kernel.4.cloned.1.call-start
scs
__scs_entry_jumppad:
0x0: {  	(pc) =	sbr.rel $0x88, $3  }
0x1: {  	(tag) =	ssettag $0x0;
	lr =	simm.s32 $0x1  }
0x2: {  	[smem:$0x3F98] =	sst lr;
	_ =	strace $0xD0000000  }
0x3: {  	_ = 	snop  }
0x4: {  	_ = 	snop  }
0x5: {  	_ = 	snop  }
0x6: {  	_ = 	snop  }
0x7: {  	_ = 	snop  }
__scs_overlays_trampoline_lowered:
0x8: {  	[smem:$0x3FA7] =	sst s0  }
0x9: {  	[smem:$0x3FA8] =	sst s1  }
0xa: {  	[smem:$0x3FA9] =	sst s2  }
0xb: {  	[smem:$0x3FAA] =	sst s3  }
0xc: {  	[smem:$0x3FAB] =	sst s4  }
0xd: {  	[smem:$0x3FAC] =	sst s5  }
0xe: {  	[smem:$0x3FAD] =	sst s6  }
0xf: {  	[smem:$0x3FAE] =	sst s7  }
0x10: {  	[smem:$0x3FAF] =	sst s8  }
0x11: {  	[smem:$0x3FB0] =	sst s9;
	s0 =	simm.s32 @!p0 $0x0  }
0x12: {  	s1 =	sld [smem:$0x3F96];
	s0 =	simm.s32 @p0 $0x1  }
0x13: {  	[smem:$0x3FB1] =	sst s0;
	s0 =	simm.s32 @!p1 $0x0  }
0x14: {  	s2 =	sld [smem:$0x3F95];
	s0 =	simm.s32 @p1 $0x1  }
0x15: {  	[smem:$0x3FB2] =	sst s0;
	s0 =	simm.s32 @!p2 $0x0  }
0x16: {  	s3 =	sld [smem:$0x3FDB];
	s0 =	simm.s32 @p2 $0x1  }
0x17: {  	s4 =	simm.s32 $0x1BF5;
	[smem:$0x3FB4] =	sst s0  }
0x18: {  	s0 =	sld [smem:$0x3F97];
	_ =	swait.ge [sflag:s4], $0x0  }
0x19: {  	s7 =	sld [smem:$0x3F98]  }
0x1a: {  	s8 =	sadd.s32 $0xFFFFE003, lr  }
0x1b: {  	s9 =	sadd.s32 $0xFFFFFEF7, lr;
	s5 =	simm.s32 $0xFFFFFFFF;
	p2 =	slt.u32 s8, $0xFFFFF086  }
0x1c: {  	p1 =	slt.u32 s9, $0xF7A;
	s5 =	simm.s32 @!p2 $0x0  }
0x1d: {  	s5 =	simm.s32 @p1 $0x1;
	p0 =	seq.s32 s7, s2  }
0x1e: {  	s7 =	smul.u32 @!p0 $0xF7A, s2;
	p2 =	seq.s32 @!p0 s5, $0x0  }
0x1f: {  	s9 =	smul.u32 $0xF7A, s1;
	s8 =	simm.s32 @!p0 $0x1BF5;
	p2 =	por !p2, p0  }
0x20: {  	[sflag:s8] =	ssyncset.s32 @!p0 $0xFFFFF086;
	s6 =	sadd.s32 @!p0 s3, s7;
	s7 =	simm.s32 @!p0 $0x108  }
0x21: {  	s3 =	sadd.s32 s3, s9;
	s6 =	sadd.s32 @!p0 $0x88, s6;
	s7 =	simm.s32 @p2 $0x1082  }
0x22: {  	[simem:s7], [sflag:s8] =	dma.local @!p0 [hbm:s6], $0xF7A  }
0x23: {  	s9 =	sor.u32 $0xD0000000, s2;
	s6 =	simm.s32 $0x108;
	_ =	swait.ge @!p0 [sflag:s8], $0x0  }
0x24: {  	s3 =	sadd.s32 $0x88, s3;
	s6 =	simm.s32 @!p1 $0x1082;
	[sflag:s4] =	ssyncset.s32 $0xFFFFF086  }
0x25: {  	[simem:s6], [sflag:s4] =	dma.local [hbm:s3], $0xF7A  }
0x26: {  	[smem:$0x3F98] =	sst s1;
	(tag) =	ssettag s2;
	_ =	strace s9  }
0x27: {  	s1 =	sld [smem:$0x3FA8]  }
0x28: {  	s2 =	sld [smem:$0x3FA9]  }
0x29: {  	s4 =	sld [smem:$0x3FAB]  }
0x2a: {  	p0 =	seq.s32 s5, $0x0;
	s5 =	sld [smem:$0x3FAC]  }
0x2b: {  	s6 =	sld [smem:$0x3FAD]  }
0x2c: {  	s7 =	sld [smem:$0x3FAE]  }
0x2d: {  	s3 =	simm.s32 $0x108;
	s8 =	sld [smem:$0x3FAF]  }
0x2e: {  	s3 =	simm.s32 @!p0 $0x1082;
	s9 =	sld [smem:$0x3FB0]  }
0x2f: {  	lr =	sadd.s32 s0, s3;
	s0 =	sld [smem:$0x3FA7]  }
0x30: {  	s3 =	sld [smem:$0x3FAA]  }
0x31: {  	[smem:$0x3FB3] =	sst s10  }
0x32: {  	s10 =	sld [smem:$0x3FB1];
	_ =	sdelay $0x3  }
0x33: {  	p0 =	seq.s32 s10, $0x1;
	s10 =	sld [smem:$0x3FB3];
	_ =	sdelay $0x3  }
0x34: {  	[smem:$0x3FB3] =	sst s10  }
0x35: {  	s10 =	sld [smem:$0x3FB2];
	_ =	sdelay $0x3  }
0x36: {  	p1 =	seq.s32 s10, $0x1;
	s10 =	sld [smem:$0x3FB3];
	_ =	sdelay $0x3  }
0x37: {  	[smem:$0x3FB3] =	sst s10  }
0x38: {  	s10 =	sld [smem:$0x3FB4]  }
0x39: {  	_ = 	snop;
	(pc) =	sbr.ind lr, $3  }
0x3a: {  	_ = 	snop  }
0x3b: {  	_ = 	snop  }
0x3c: {  	p2 =	seq.s32 s10, $0x1;
	s10 =	sld [smem:$0x3FB3]  }
0x3d: {  	_ =	shalt  }
0x3e: {  	_ =	shalt  }
0x3f: {  	_ =	shalt  }
0x40: {  	_ =	shalt  }
0x41: {  	_ =	shalt  }
0x42: {  	_ =	shalt  }
0x43: {  	_ =	shalt  }
0x44: {  	_ =	shalt  }
0x45: {  	_ =	shalt  }
0x46: {  	_ =	shalt  }
0x47: {  	_ =	shalt  }
0x48: {  	_ =	shalt  }
0x49: {  	_ =	shalt  }
0x4a: {  	_ =	shalt  }
0x4b: {  	_ =	shalt  }
0x4c: {  	_ =	shalt  }
0x4d: {  	_ =	shalt  }
0x4e: {  	_ =	shalt  }
0x4f: {  	_ =	shalt  }
0x50: {  	_ =	shalt  }
0x51: {  	_ =	shalt  }
0x52: {  	_ =	shalt  }
0x53: {  	_ =	shalt  }
0x54: {  	_ =	shalt  }
0x55: {  	_ =	shalt  }
0x56: {  	_ =	shalt  }
0x57: {  	_ =	shalt  }
0x58: {  	_ =	shalt  }
0x59: {  	_ =	shalt  }
0x5a: {  	_ =	shalt  }
0x5b: {  	_ =	shalt  }
0x5c: {  	_ =	shalt  }
0x5d: {  	_ =	shalt  }
0x5e: {  	_ =	shalt  }
0x5f: {  	_ =	shalt  }
0x60: {  	_ =	shalt  }
0x61: {  	_ =	shalt  }
0x62: {  	_ =	shalt  }
0x63: {  	_ =	shalt  }
0x64: {  	_ =	shalt  }
0x65: {  	_ =	shalt  }
0x66: {  	_ =	shalt  }
0x67: {  	_ =	shalt  }
0x68: {  	_ =	shalt  }
0x69: {  	_ =	shalt  }
0x6a: {  	_ =	shalt  }
0x6b: {  	_ =	shalt  }
0x6c: {  	_ =	shalt  }
0x6d: {  	_ =	shalt  }
0x6e: {  	_ =	shalt  }
0x6f: {  	_ =	shalt  }
0x70: {  	_ =	shalt  }
0x71: {  	_ =	shalt  }
0x72: {  	_ =	shalt  }
0x73: {  	_ =	shalt  }
0x74: {  	_ =	shalt  }
0x75: {  	_ =	shalt  }
0x76: {  	_ =	shalt  }
0x77: {  	_ =	shalt  }
0x78: {  	_ =	shalt  }
0x79: {  	_ =	shalt  }
0x7a: {  	_ =	shalt  }
0x7b: {  	_ =	shalt  }
0x7c: {  	_ =	shalt  }
0x7d: {  	_ =	shalt  }
0x7e: {  	_ =	shalt  }
0x7f: {  	_ =	shalt  }
0x80: {  	_ =	shalt  }
0x81: {  	_ =	shalt  }
0x82: {  	_ =	shalt  }
0x83: {  	_ =	shalt  }
0x84: {  	_ =	shalt  }
0x85: {  	_ =	shalt  }
0x86: {  	_ =	shalt  }
0x87: {  	_ =	shalt  }
.Lfunc_end0:
.L_simem_size_0:
called_computation_lowered:
.L_overlay_start_0:
0x88: {  	s2 =	sld [smem:$0x3FD9]  }
0x89: {  	s3 =	sld [smem:$0x3FFE];
	_ =	sdelay $0x1  }
0x8a: {  	s1 =	srdreg.scid  }
0x8b: {  	s0 =	sand.u32 $0x1, s1  }
0x8c: {  	s16 =	sshll.u32 s0, $0xA;
	s2 =	sadd.s32 s3, s2  }
0x8d: {  	s2 =	sadd.s32 s2, s16  }
0x8e: {  	[smem:$0x3FBF] =	sst s2  }
0x8f: {  	_ = 	snop  }
0x90: {  	(tm) =	ssettm $0x1  }
0x91: {  	s17 =	sld [smem:$0x3FFB];
	_ =	sdelay $0x3  }
0x92: {  	_ =	strace s17  }
0x93: {  	s2 =	sld [smem:$0x3FFC];
	_ =	sdelay $0x3  }
0x94: {  	_ =	strace s2  }
0x95: {  	s2 =	sld [smem:$0x3FFD];
	_ =	sdelay $0x3  }
0x96: {  	_ =	strace s2  }
0x97: {  	_ =	strace $0x8FFFFFFF  }
0x98: {  	s18 =	sld [smem:$0x3FDB];
	_ =	sdelay $0x1  }
0x99: {  	s19 =	simm.s32 $_scs_section_size  }
0x9a: {  	s4 =	simm.s32 $_size__tile_overlayer_lowered;
	s5 =	simm.s32 $_tile_overlayer_lowered  }
0x9b: {  	s22 =	simm.s32 $0x1BFF;
	s21 =	sshll.u32 s5, $0x1;
	s2 =	sadd.s32 s19, s18  }
0x9c: {  	s6 =	simm.s32 $0x0;
	s20 =	sshll.u32 s4, $0x1;
	s4 =	sadd.s32 s21, s2  }
0x9d: {  	[timem:s6], [sflag:s22] =	dma.local [hbm:s4], s20  }
0x9e: {  	_ =	swait.ge [sflag:s22], s20  }
0x9f: {  	s3 =	ssub.s32 $0x0, s20;
	[sflag:s22] =	ssyncset.done $0x0  }
0xa0: {  	[sflag:s22] =	ssyncadd.s32 s3;
	_ =	sdelay $0x1  }
0xa1: {  	s23 =	simm.s32 $0x1B8B  }
0xa2: {  	_ =	swait.ge [sflag:s23], $0x1  }
0xa3: {  	[sflag:s23] =	ssyncset.done $0x0  }
0xa4: {  	s25 =	simm.s32 $0x1B8E;
	s24 =	sld [smem:$0x3FFE];
	[sflag:s23] =	ssyncadd.s32 $0xFFFFFFFF  }
0xa5: {  	s26 =	simm.s32 $execute0_lowered;
	[smem:$0x3FD2] =	sst s25  }
0xa6: {  	s4 =	sshll.u32 s26, $0x1;
	_ =	strace $0x80000046;
	[dreg:$0x1] =	wrdreg $0xFFFFFFFF  }
0xa7: {  	s28 =	simm.s32 $_size_execute0_lowered;
	s2 =	sadd.s32 s2, s4;
	[dreg:$0x0] =	wrdreg $0x0  }
0xa8: {  	s4 =	sshll.u32 s28, $0x1;
	[dreg:$0x2] =	wrdreg s2  }
0xa9: {  	[dreg:$0x3] =	wrdreg s4  }
0xaa: {  	[dreg:$0x4] =	wrdreg $0xC0  }
0xab: {  	_ =	task [dreg:s6], $0x5FFFF  }
0xac: {  	[dreg:$0x1] =	wrdreg $0xFFFFFFFF  }
0xad: {  	[dreg:$0x0] =	wrdreg $0x60  }
0xae: {  	[dreg:$0x2] =	wrdreg s24  }
0xaf: {  	[dreg:$0x3] =	wrdreg $0x9  }
0xb0: {  	_ =	task.clear_ibuf [dreg:s6], $0x4FFFF;
	_ =	strace $0x90000046  }
0xb1: {  	s29 =	simm.s32 $0x9;
	_ =	strace $0x80000048  }
0xb2: {  	_ =	swait.ge [sflag:s29], $0x1  }
0xb3: {  	[sflag:s29] =	ssyncadd.s32 $0xFFFFFFFF  }
0xb4: {  	_ =	strace $0x90000048  }
0xb5: {  	_ =	sfence  }
0xb6: {  	s30 =	sld [smem:$0x0];
	_ =	sdelay $0x2  }
0xb7: {  	s31 =	sshll.u32 s1, $0xD;
	s1 =	sshrl.u32 s1, $0x2  }
0xb8: {  	s3 =	sand.u32 $0x4000, s31;
	s1 =	sadd.s32 s1, s30  }
0xb9: {  	s0 =	sor.u32 s3, s0;
	s1 =	sshll.u32 s1, $0x11  }
0xba: {  	s0 =	sor.u32 s1, s0  }
0xbb: {  	s0 =	sadd.s32 $0x8F2B, s0  }
0xbc: {  	[sflag:s0] =	ssyncadd.remote.s32 $0x1  }
0xbd: {  	_ =	sfence.sel $0xFFFF  }
0xbe: {  	[dreg:$0x0] =	wrdreg $0xFFFFFFFF;
	(pc) =	sbr.abs _section_cstart, $3  }
0xbf: {  	[dreg:$0x1] =	wrdreg $0xFFFFFFFF  }
0xc0: {  	_ =	task.clear_ibuf [dreg:s6], $0x2FFFF;
	_ =	strace $0x9FFFFFFF  }
0xc1: {  	(tm) =	ssettm $0x7FFFFFFF  }
tec
execute0_lowered:
.L_overlay_start_1:
0x0: {  	(tag) =	ssettag $0x1  }
0x1: {  	s1 =	srdreg.scid;
	s0 =	stileid.u32  }
0x2: {  	s4 =	rddreg [dreg:$0x0];
	s2 =	simm.s32 $0x0;
	s12 =	simm.s32 $0x80  }
0x3: {  	s13 =	simm.s32 $0x1;
	s14 =	simm.s32 $0xDD00;
	s15 =	simm.s32 $0x2  }
0x4: {  	s16 =	simm.s32 $0x14500;
	s6 =	sand.u32 $0x1, s1;
	s3 =	sshll.u32 s0, $0x1  }
0x5: {  	s1 =	rddreg [dreg:$0x1];
	s29 =	smul.u32 $0x1A00, s0;
	s5 =	sor.u32 s6, s3  }
0x6: {  	s17 =	simm.s32 $0x0;
	[smem:$0x7FF] =	sst s2;
	s7 =	smul.u32 $0xD00, s5  }
0x7: {  	s11 =	sadd.s32 $0x9EF400, s4;
	s8 =	ssub.s32 $0x2, s6;
	s10 =	smul.u32 $0x1A000, s5  }
0x8: {  	_ =	strace $0x80000047;
	s9 =	sshrl.u32 s8, $0x1;
	s5 =	smul.u32 $0x3400, s5  }
0x9: {  	s3 =	sadd.s32 $0xE00, s4;
	s31 =	smul.u32 $0xD00, s6;
	s9 =	ssub.s32 s8, s9  }
0xa: {  	v0 =	vlaneseq.u32;
	s7 =	sshrl.u32 s7, $0x3;
	s28 =	sshrl.u32 s10, $0x3;
	s5 =	sadd.s32 s11, s5  }
0xb: {  	v1 =	vmul.u32 $0x186A0, v0;
	s9 =	smax.u32 s9, $0x1;
	s10 =	sadd.s32 s31, s29;
	s7 =	sadd.s32 s7, s4  }
0xc: {  	s30 =	sadd.s32 s11, s28;
	s11 =	simm.s32 $0x3;
	s4 =	sadd.s32 $0x9EC000, s7  }
0xd: {  	v2 =	vadd.s32 $0x186A00, v1;
	s6 =	sadd.s32 $0xD00, s30;
	s7 =	sadd.s32 $0x1A00, s30;
	s8 =	sadd.s32 $0x2700, s30  }
.LBB2_1:
0xe: {  	v3 =	vor.u32 s10, v0  }
0xf: {  	v4 =	vmulhi.u32 $0x4EC4EC4F, v3  }
0x10: {  	[tilespmem:s2], [sflag:$0x3] =	stream.linear.gather [hbm4b:s4+s2], $0xD00, $0x38;
	[tilespmem:$0x1AD00] =	vst v63  }
0x11: {  	_ =	swait.ge [sflag:s11], $0xD00;
	v4 =	vshrl.u32 v4, $0x3  }
0x12: {  	[sflag:s11] =	ssyncset.done $0x0;
	v4 =	vmul.u32 $0x1A, v4  }
0x13: {  	s18 =	simm.s32 $0x0;
	[sflag:s11] =	ssyncadd.s32 $0xFFFFF300  }
0x14: {  	v5 =	vsub.s32 v3, v4;
	v4 =	vld [tilespmem:s18+$0x0];
	_ =	sdelay $0x1  }
0x15: {  	s20 =	sadd.s32 $0x10, s10  }
0x16: {  	s19 =	simm.s32 $0x40;
	s21 =	simm.s32 $0x80;
	v3 =	vor.u32 s20, v0;
	v5 =	vmul.u32 $0x30D400, v5  }
.LBB2_2:
0x17: {  	p0 =	sne.s32 s21, $0x33C0;
	v6 =	vmulhi.u32 $0x4EC4EC4F, v3  }
0x18: {  	v4 =	vadd.s32 v5, v4  }
.Ltmp0:
0x19: {  	v5 =	vshrl.u32 v6, $0x3;
	[tilespmem:s18+$0x0] =	vst v4;
	s18 =	sshra.s32 s19, $0x2;
	s19 =	smov.u32 s21;
	(pc) =	sbr.rel @p0 .LBB2_2-.Ltmp0, $3  }
0x1a: {  	v4 =	vld [tilespmem:s18+$0x0];
	v5 =	vmul.u32 $0x1A, v5;
	_ =	sdelay $0x1  }
0x1b: {  	s20 =	sadd.s32 $0x10, s20;
	v5 =	vsub.s32 v3, v5  }
0x1c: {  	s21 =	sadd.s32 $0x40, s21;
	v3 =	vor.u32 s20, v0;
	v5 =	vmul.u32 $0x30D400, v5  }
0x1d: {  	v6 =	vmulhi.u32 $0x4EC4EC4F, v3  }
0x1e: {  	v4 =	vadd.s32 v5, v4  }
0x1f: {  	s19 =	sshra.s32 s19, $0x2;
	v5 =	vshrl.u32 v6, $0x3;
	[tilespmem:s18+$0x0] =	vst v4  }
0x20: {  	v4 =	vld [tilespmem:s19+$0x0];
	v5 =	vmul.u32 $0x1A, v5  }
0x21: {  	s18 =	simm.s32 $0x0  }
0x22: {  	v3 =	vsub.s32 v3, v5;
	v5 =	vmov s18  }
0x23: {  	v3 =	vmul.u32 $0x30D400, v3;
	_ =	sdelay $0x1  }
0x24: {  	v3 =	vadd.s32 v3, v4  }
0x25: {  	[tilespmem:s19+$0x0] =	vst v3  }
0x26: {  	v3 =	vld.idx.msk [tilespmem:v5+s18+$0x0], $0xffff;
	_ =	sdelay $0x1  }
0x27: {  	s31 =	simm.s32 $0x1  }
0x28: {  	v4 =	vmov s31;
	_ =	sdelay $0x1  }
0x29: {  	s19 =	simm.s32 $0xD10;
	v5 =	vadd.s32 v1, v3  }
0x2a: {  	v3 =	vadd.s32 v2, v3;
	[tilespmem:s19+$0xFFFFFFF0] =	vst v5  }
0x2b: {  	[tilespmem:s19+$0x0] =	vst v3  }
0x2c: {  	v4 =	vld.idx.msk [tilespmem:v4+s18+$0x0], $0xffff;
	_ =	sdelay $0x1  }
0x2d: {  	s20 =	simm.s32 $0x2  }
0x2e: {  	v3 =	vmov s20;
	s20 =	simm.s32 $0x3  }
.LBB2_4:
0x2f: {  	p0 =	sne.s32 s20, $0x33F  }
0x30: {  	v5 =	vadd.s32 v1, v4;
	v4 =	vadd.s32 v2, v4;
	s19 =	sadd.s32 $0x20, s19  }
0x31: {  	[tilespmem:s19+$0xFFFFFFF0] =	vst v5  }
0x32: {  	[tilespmem:s19+$0x0] =	vst v4  }
.Ltmp1:
0x33: {  	v4 =	vld.idx.msk [tilespmem:v3+s18+$0x0], $0xffff;
	(pc) =	sbr.rel @p0 .LBB2_4-.Ltmp1, $2  }
0x34: {  	_ =	sdelay $0x2  }
0x35: {  	v3 =	vmov s20;
	s20 =	sadd.s32 $0x1, s20  }
0x36: {  	_ = 	snop  }
0x37: {  	v5 =	vadd.s32 v1, v4;
	s19 =	sadd.s32 $0x20, s19  }
0x38: {  	v62 =	vadd.s32 v2, v4;
	[tilespmem:s19+$0xFFFFFFF0] =	vst v5  }
0x39: {  	[tilespmem:s19+$0x0] =	vst v62  }
0x3a: {  	v3 =	vld.idx.msk [tilespmem:v3+s18+$0x0], $0xffff;
	_ =	sdelay $0x4  }
0x3b: {  	s19 =	sadd.s32 $0x20, s19;
	v63 =	vadd.s32 v1, v3  }
0x3c: {  	v3 =	vadd.s32 v2, v3;
	[tilespmem:s19+$0xFFFFFFF0] =	vst v63  }
0x3d: {  	[tilespmem:s19+$0x0] =	vst v3  }
.LBB2_6:
0x3e: {  	p0 =	sne.s32 s18, $0x19E00  }
.Ltmp2:
0x3f: {  	_ = 	snop;
	(pc) =	sbr.rel @p0 .LBB2_6-.Ltmp2, $4  }
0x40: {  	_ = 	snop  }
0x41: {  	s19 =	sshra.s32 s18, $0x2  }
0x42: {  	s18 =	sadd.s32 $0x200, s18;
	s20 =	sadd.s32 $0xDD00, s19;
	s19 =	sadd.s32 $0xD00, s19  }
0x43: {  	[tilespmem:s20], [sflag:$0x1] =	stream.indirect.gather [hbm4b:s3+s12], $0x1, s19, s12, $0xb8;
	[tilespmem:$0x1AD00] =	vst v63  }
0x44: {  	s18 =	simm.s32 $0x340  }
0x45: {  	v3 =	vmov s18;
	_ =	sdelay $0x3  }
0x46: {  	s18 =	simm.s32 $0x0  }
0x47: {  	v3 =	vld.idx.msk [tilespmem:v3+s18+$0x0], $0xffff;
	_ =	sdelay $0x1  }
0x48: {  	s19 =	simm.s32 $0x341  }
0x49: {  	v4 =	vmov s19;
	_ =	sdelay $0x1  }
0x4a: {  	s19 =	simm.s32 $0x7510;
	v5 =	vadd.s32 v1, v3  }
0x4b: {  	v3 =	vadd.s32 v2, v3;
	[tilespmem:s19+$0xFFFFFFF0] =	vst v5  }
0x4c: {  	[tilespmem:s19+$0x0] =	vst v3  }
0x4d: {  	v4 =	vld.idx.msk [tilespmem:v4+s18+$0x0], $0xffff;
	_ =	sdelay $0x1  }
0x4e: {  	s20 =	simm.s32 $0x342  }
0x4f: {  	v3 =	vmov s20;
	s20 =	simm.s32 $0x343  }
.LBB2_8:
0x50: {  	p0 =	sne.s32 s20, $0x67F  }
0x51: {  	v5 =	vadd.s32 v1, v4;
	v4 =	vadd.s32 v2, v4;
	s19 =	sadd.s32 $0x20, s19  }
0x52: {  	[tilespmem:s19+$0xFFFFFFF0] =	vst v5  }
0x53: {  	[tilespmem:s19+$0x0] =	vst v4  }
.Ltmp3:
0x54: {  	v4 =	vld.idx.msk [tilespmem:v3+s18+$0x0], $0xffff;
	(pc) =	sbr.rel @p0 .LBB2_8-.Ltmp3, $2  }
0x55: {  	_ =	sdelay $0x2  }
0x56: {  	v3 =	vmov s20;
	s20 =	sadd.s32 $0x1, s20  }
0x57: {  	_ = 	snop  }
0x58: {  	v5 =	vadd.s32 v1, v4;
	s19 =	sadd.s32 $0x20, s19  }
0x59: {  	v62 =	vadd.s32 v2, v4;
	[tilespmem:s19+$0xFFFFFFF0] =	vst v5  }
0x5a: {  	s18 =	simm.s32 $0x0;
	[tilespmem:s19+$0x0] =	vst v62  }
0x5b: {  	v3 =	vld.idx.msk [tilespmem:v3+s18+$0x0], $0xffff;
	_ =	sdelay $0x4  }
0x5c: {  	s19 =	sadd.s32 $0x20, s19;
	v63 =	vadd.s32 v1, v3  }
0x5d: {  	v3 =	vadd.s32 v2, v3;
	[tilespmem:s19+$0xFFFFFFF0] =	vst v63  }
0x5e: {  	[tilespmem:s19+$0x0] =	vst v3  }
.LBB2_10:
0x5f: {  	p0 =	sne.s32 s18, $0x19E00  }
.Ltmp4:
0x60: {  	_ = 	snop;
	(pc) =	sbr.rel @p0 .LBB2_10-.Ltmp4, $4  }
0x61: {  	_ = 	snop  }
0x62: {  	s19 =	sshra.s32 s18, $0x2  }
0x63: {  	s18 =	sadd.s32 $0x200, s18;
	s20 =	sadd.s32 $0x14500, s19;
	s19 =	sadd.s32 $0x7500, s19  }
0x64: {  	[tilespmem:s20], [sflag:$0x2] =	stream.indirect.gather [hbm4b:s3+s12], $0x1, s19, s12, $0xb8;
	[tilespmem:$0x1AD00] =	vst v63  }
0x65: {  	_ =	swait.ge [sflag:s13], $0x80  }
0x66: {  	s18 =	simm.s32 $0xCF;
	[sflag:s13] =	ssyncset.done $0x0  }
.LBB2_12:
0x67: {  	p0 =	sne.s32 s18, $0x1;
	s18 =	sadd.s32 $0xFFFFFFFF, s18;
	[sflag:s13] =	ssyncadd.s32 $0xFFFFFF80  }
.Ltmp5:
0x68: {  	(pc) =	sbr.rel @p0 .LBB2_12-.Ltmp5, $3  }
0x69: {  	_ =	sdelay $0x1  }
0x6a: {  	_ =	swait.ge [sflag:s13], $0x80  }
0x6b: {  	[sflag:s13] =	ssyncset.done $0x0  }
0x6c: {  	s18 =	simm.s32 $0x680  }
0x6d: {  	[sflag:s13] =	ssyncadd.s32 $0xFFFFFF80;
	v3 =	vmov s18  }
0x6e: {  	[hbm4b:s5+s2] =	stream.linear.scatter [tilespmem:s14], [sflag:$0x3], $0x6800, $0x38;
	[tilespmem:$0x1AD00] =	vst v63  }
0x6f: {  	_ =	swait.ge [sflag:s11], $0x6800  }
0x70: {  	[sflag:s11] =	ssyncset.done $0x0  }
0x71: {  	s18 =	simm.s32 $0x0;
	[sflag:s11] =	ssyncadd.s32 $0xFFFF9800  }
0x72: {  	v3 =	vld.idx.msk [tilespmem:v3+s18+$0x0], $0xffff;
	_ =	sdelay $0x1  }
0x73: {  	s19 =	simm.s32 $0x681  }
0x74: {  	v4 =	vmov s19;
	_ =	sdelay $0x1  }
0x75: {  	s19 =	simm.s32 $0xD10;
	v5 =	vadd.s32 v1, v3  }
0x76: {  	v3 =	vadd.s32 v2, v3;
	[tilespmem:s19+$0xFFFFFFF0] =	vst v5  }
0x77: {  	[tilespmem:s19+$0x0] =	vst v3  }
0x78: {  	v4 =	vld.idx.msk [tilespmem:v4+s18+$0x0], $0xffff;
	_ =	sdelay $0x1  }
0x79: {  	s20 =	simm.s32 $0x682  }
0x7a: {  	v3 =	vmov s20;
	s20 =	simm.s32 $0x683  }
.LBB2_14:
0x7b: {  	p0 =	sne.s32 s20, $0x9BF  }
0x7c: {  	v5 =	vadd.s32 v1, v4;
	v4 =	vadd.s32 v2, v4;
	s19 =	sadd.s32 $0x20, s19  }
0x7d: {  	[tilespmem:s19+$0xFFFFFFF0] =	vst v5  }
0x7e: {  	[tilespmem:s19+$0x0] =	vst v4  }
.Ltmp6:
0x7f: {  	v4 =	vld.idx.msk [tilespmem:v3+s18+$0x0], $0xffff;
	(pc) =	sbr.rel @p0 .LBB2_14-.Ltmp6, $2  }
0x80: {  	_ =	sdelay $0x2  }
0x81: {  	v3 =	vmov s20;
	s20 =	sadd.s32 $0x1, s20  }
0x82: {  	_ = 	snop  }
0x83: {  	v5 =	vadd.s32 v1, v4;
	s19 =	sadd.s32 $0x20, s19  }
0x84: {  	v62 =	vadd.s32 v2, v4;
	[tilespmem:s19+$0xFFFFFFF0] =	vst v5  }
0x85: {  	s18 =	simm.s32 $0x0;
	[tilespmem:s19+$0x0] =	vst v62  }
0x86: {  	v3 =	vld.idx.msk [tilespmem:v3+s18+$0x0], $0xffff;
	_ =	sdelay $0x4  }
0x87: {  	s19 =	sadd.s32 $0x20, s19;
	v63 =	vadd.s32 v1, v3  }
0x88: {  	v3 =	vadd.s32 v2, v3;
	[tilespmem:s19+$0xFFFFFFF0] =	vst v63  }
0x89: {  	[tilespmem:s19+$0x0] =	vst v3  }
.LBB2_16:
0x8a: {  	p0 =	sne.s32 s18, $0x19E00  }
.Ltmp7:
0x8b: {  	_ = 	snop;
	(pc) =	sbr.rel @p0 .LBB2_16-.Ltmp7, $4  }
0x8c: {  	_ = 	snop  }
0x8d: {  	s19 =	sshra.s32 s18, $0x2  }
0x8e: {  	s18 =	sadd.s32 $0x200, s18;
	s20 =	sadd.s32 $0xDD00, s19;
	s19 =	sadd.s32 $0xD00, s19  }
0x8f: {  	[tilespmem:s20], [sflag:$0x1] =	stream.indirect.gather [hbm4b:s3+s12], $0x1, s19, s12, $0xb8;
	[tilespmem:$0x1AD00] =	vst v63  }
0x90: {  	_ =	swait.ge [sflag:s15], $0x80  }
0x91: {  	s18 =	simm.s32 $0xCF;
	[sflag:s15] =	ssyncset.done $0x0  }
.LBB2_18:
0x92: {  	p0 =	sne.s32 s18, $0x1;
	s18 =	sadd.s32 $0xFFFFFFFF, s18;
	[sflag:s15] =	ssyncadd.s32 $0xFFFFFF80  }
.Ltmp8:
0x93: {  	(pc) =	sbr.rel @p0 .LBB2_18-.Ltmp8, $3  }
0x94: {  	_ =	sdelay $0x1  }
0x95: {  	_ =	swait.ge [sflag:s15], $0x80  }
0x96: {  	[sflag:s15] =	ssyncset.done $0x0  }
0x97: {  	s18 =	simm.s32 $0x9C0  }
0x98: {  	[sflag:s15] =	ssyncadd.s32 $0xFFFFFF80;
	v3 =	vmov s18  }
0x99: {  	[hbm4b:s6+s2] =	stream.linear.scatter [tilespmem:s16], [sflag:$0x3], $0x6800, $0x38;
	[tilespmem:$0x1AD00] =	vst v63  }
0x9a: {  	_ =	swait.ge [sflag:s11], $0x6800  }
0x9b: {  	[sflag:s11] =	ssyncset.done $0x0  }
0x9c: {  	s18 =	simm.s32 $0x0;
	[sflag:s11] =	ssyncadd.s32 $0xFFFF9800  }
0x9d: {  	v3 =	vld.idx.msk [tilespmem:v3+s18+$0x0], $0xffff;
	_ =	sdelay $0x1  }
0x9e: {  	s19 =	simm.s32 $0x9C1  }
0x9f: {  	v4 =	vmov s19;
	_ =	sdelay $0x1  }
0xa0: {  	s19 =	simm.s32 $0x7510;
	v5 =	vadd.s32 v1, v3  }
0xa1: {  	v3 =	vadd.s32 v2, v3;
	[tilespmem:s19+$0xFFFFFFF0] =	vst v5  }
0xa2: {  	[tilespmem:s19+$0x0] =	vst v3  }
0xa3: {  	v4 =	vld.idx.msk [tilespmem:v4+s18+$0x0], $0xffff;
	_ =	sdelay $0x1  }
0xa4: {  	s20 =	simm.s32 $0x9C2  }
0xa5: {  	v3 =	vmov s20;
	s20 =	simm.s32 $0x9C3  }
.LBB2_20:
0xa6: {  	p0 =	sne.s32 s20, $0xCFF  }
0xa7: {  	v5 =	vadd.s32 v1, v4;
	v4 =	vadd.s32 v2, v4;
	s19 =	sadd.s32 $0x20, s19  }
0xa8: {  	[tilespmem:s19+$0xFFFFFFF0] =	vst v5  }
0xa9: {  	[tilespmem:s19+$0x0] =	vst v4  }
.Ltmp9:
0xaa: {  	v4 =	vld.idx.msk [tilespmem:v3+s18+$0x0], $0xffff;
	(pc) =	sbr.rel @p0 .LBB2_20-.Ltmp9, $2  }
0xab: {  	_ =	sdelay $0x2  }
0xac: {  	v3 =	vmov s20;
	s20 =	sadd.s32 $0x1, s20  }
0xad: {  	_ = 	snop  }
0xae: {  	v5 =	vadd.s32 v1, v4;
	s19 =	sadd.s32 $0x20, s19  }
0xaf: {  	v62 =	vadd.s32 v2, v4;
	[tilespmem:s19+$0xFFFFFFF0] =	vst v5  }
0xb0: {  	s18 =	simm.s32 $0x0;
	[tilespmem:s19+$0x0] =	vst v62  }
0xb1: {  	v3 =	vld.idx.msk [tilespmem:v3+s18+$0x0], $0xffff;
	_ =	sdelay $0x4  }
0xb2: {  	s19 =	sadd.s32 $0x20, s19;
	v63 =	vadd.s32 v1, v3  }
0xb3: {  	v3 =	vadd.s32 v2, v3;
	[tilespmem:s19+$0xFFFFFFF0] =	vst v63  }
0xb4: {  	[tilespmem:s19+$0x0] =	vst v3  }
.LBB2_22:
0xb5: {  	p0 =	sne.s32 s18, $0x19E00  }
.Ltmp10:
0xb6: {  	_ = 	snop;
	(pc) =	sbr.rel @p0 .LBB2_22-.Ltmp10, $4  }
0xb7: {  	_ = 	snop  }
0xb8: {  	s19 =	sshra.s32 s18, $0x2  }
0xb9: {  	s18 =	sadd.s32 $0x200, s18;
	s20 =	sadd.s32 $0x14500, s19;
	s19 =	sadd.s32 $0x7500, s19  }
0xba: {  	[tilespmem:s20], [sflag:$0x2] =	stream.indirect.gather [hbm4b:s3+s12], $0x1, s19, s12, $0xb8;
	[tilespmem:$0x1AD00] =	vst v63  }
0xbb: {  	_ =	swait.ge [sflag:s13], $0x80  }
0xbc: {  	s18 =	simm.s32 $0xCF;
	[sflag:s13] =	ssyncset.done $0x0  }
.LBB2_24:
0xbd: {  	p0 =	sne.s32 s18, $0x1;
	s18 =	sadd.s32 $0xFFFFFFFF, s18;
	[sflag:s13] =	ssyncadd.s32 $0xFFFFFF80  }
.Ltmp11:
0xbe: {  	(pc) =	sbr.rel @p0 .LBB2_24-.Ltmp11, $3  }
0xbf: {  	_ =	sdelay $0x1  }
0xc0: {  	_ =	swait.ge [sflag:s13], $0x80  }
0xc1: {  	[sflag:s13] =	ssyncset.done $0x0  }
0xc2: {  	[sflag:s13] =	ssyncadd.s32 $0xFFFFFF80  }
0xc3: {  	[hbm4b:s7+s2] =	stream.linear.scatter [tilespmem:s14], [sflag:$0x3], $0x6800, $0x38;
	[tilespmem:$0x1AD00] =	vst v63  }
0xc4: {  	_ =	swait.ge [sflag:s11], $0x6800  }
0xc5: {  	[sflag:s11] =	ssyncset.done $0x0  }
0xc6: {  	[sflag:s11] =	ssyncadd.s32 $0xFFFF9800  }
0xc7: {  	_ =	swait.ge [sflag:s15], $0x80  }
0xc8: {  	s18 =	simm.s32 $0xCF;
	[sflag:s15] =	ssyncset.done $0x0  }
.LBB2_26:
0xc9: {  	p0 =	sne.s32 s18, $0x1;
	s18 =	sadd.s32 $0xFFFFFFFF, s18;
	[sflag:s15] =	ssyncadd.s32 $0xFFFFFF80  }
.Ltmp12:
0xca: {  	(pc) =	sbr.rel @p0 .LBB2_26-.Ltmp12, $3  }
0xcb: {  	_ =	sdelay $0x1  }
0xcc: {  	_ =	swait.ge [sflag:s15], $0x80  }
0xcd: {  	[sflag:s15] =	ssyncset.done $0x0  }
0xce: {  	s17 =	sadd.s32 $0x1, s17  }
0xcf: {  	p0 =	sne.s32 s17, s9  }
.Ltmp13:
0xd0: {  	[sflag:s15] =	ssyncadd.s32 $0xFFFFFF80;
	(pc) =	sbr.rel @p0 .LBB2_1-.Ltmp13, $4  }
0xd1: {  	[hbm4b:s8+s2] =	stream.linear.scatter [tilespmem:s16], [sflag:$0x3], $0x6800, $0x38;
	[tilespmem:$0x1AD00] =	vst v63  }
0xd2: {  	_ =	swait.ge [sflag:s11], $0x6800  }
0xd3: {  	[sflag:s11] =	ssyncset.done $0x0  }
0xd4: {  	[sflag:s11] =	ssyncadd.s32 $0xFFFF9800  }
0xd5: {  	_ =	sfence.sel $0x180000  }
0xd6: {  	[bflag:$0x0] =	sbarrier.arrive $0xFFFF  }
0xd7: {  	p0 =	sne.s32 s0, $0x0;
	_ =	strace $0x90000047  }
0xd8: {  	s0 =	sadd.s32 @!p0 $0x100000, s1;
	[bflag:$0x2] =	sbarrier.arrive $0xFFFF  }
0xd9: {  	[sflag:s0] =	ssyncadd.tile.s32 @!p0 $0x1;
	_ =	shalt  }
.Lfunc_end2:
_tile_overlayer_lowered:
.L_overlay_start_2:
0xda: {  	(tag) =	ssettag $0x2  }
0xdb: {  	s0 =	rddreg [dreg:$0x0];
	s2 =	stileid.u32  }
0xdc: {  	s1 =	rddreg [dreg:$0x1];
	p0 =	sne.s32 s2, $0x0  }
0xdd: {  	s3 =	rddreg [dreg:$0x2];
	[bflag:$0x3] =	sbarrier.arrive $0xFFFF;
	s2 =	simm.s32 @!p0 $0x1C03  }
0xde: {  	[timem:s3], [sflag:s2] =	dma.local @!p0 [hbm:s0], s1  }
0xdf: {  	s0 =	simm.s32 @!p0 $0x3  }
0xe0: {  	_ =	swait.ge @!p0 [sflag:s0], s1  }
0xe1: {  	s1 =	ssub.s32 @!p0 $0x0, s1;
	[sflag:s0] =	ssyncset.done @!p0 $0x0  }
0xe2: {  	[sflag:s0] =	ssyncadd.s32 @!p0 s1  }
0xe3: {  	[bflag:$0x3] =	sbarrier.arrive $0xFFFF  }
0xe4: {  	_ =	shalt  }

</sc_bundles>
